<compile_context>
chip_gen: v7x
topology: tpu7x:2x2x1
jax: 0.10.2.dev20260603
libtpu: 0.0.44.dev20260713+nightly
codegen_flags: <defaults>
</compile_context>

<pallas_src>
import jax
import jax.numpy as jnp
from jax import lax
from jax.experimental import pallas as pl
from jax.experimental.pallas import tpu as pltpu
from jax.experimental.pallas import tpu_sc as plsc

_KS0 = 0
_KS1 = 12345
_KS2 = _KS0 ^ _KS1 ^ 0x1BD11BDA
_ROTS = ((13, 15, 26, 6), (17, 29, 16, 24))

_ROWS = 1024
_BLOCK = _ROWS * 128
_NNZ = 4294967
_GRID = (_NNZ + _BLOCK - 1) // _BLOCK

_IBLK = 576 * 128
_TCCOLS = _GRID * _IBLK

_NW = 32
_W = 16384
_GFULL = (_NNZ - _TCCOLS) // _W
_SCEND = _TCCOLS + _GFULL * _W
_WLAST = ((_NNZ - _SCEND) // 128) * 128
_SCEND2 = _SCEND + _WLAST
_SCROUNDS = (_GFULL + _NW - 1) // _NW


def _idx_copy_sc(xi_ref, oi_ref, buf):
    wid = lax.axis_index("s") * 2 + lax.axis_index("c")
    for k in range(_SCROUNDS):
        g = k * _NW + wid

        @pl.when(g < _GFULL)
        def _copy_chunk():
            off = pl.multiple_of(_TCCOLS + g * _W, 128)
            pltpu.sync_copy(xi_ref.at[:, pl.ds(off, _W)], buf)
            pltpu.sync_copy(buf, oi_ref.at[:, pl.ds(off, _W)])

    @pl.when(wid == _NW - 1)
    def _copy_last():
        pltpu.sync_copy(
            xi_ref.at[:, pl.ds(_SCEND, _WLAST)],
            buf.at[:, pl.ds(0, _WLAST)],
        )
        pltpu.sync_copy(
            buf.at[:, pl.ds(0, _WLAST)],
            oi_ref.at[:, pl.ds(_SCEND, _WLAST)],
        )


def _dropout_body(idx_ref, x_ref, sc_ref, oi_ref, o_ref):
    del sc_ref
    oi_ref[...] = idx_ref[...]

    base = pl.program_id(0) * _BLOCK
    idx = (
        base
        + 128 * lax.broadcasted_iota(jnp.int32, (_ROWS, 128), 0)
        + lax.broadcasted_iota(jnp.int32, (_ROWS, 128), 1)
    )
    ks = (jnp.uint32(_KS0), jnp.uint32(_KS1), jnp.uint32(_KS2))
    x0 = jnp.full((_ROWS, 128), _KS0, jnp.uint32)
    x1 = idx.astype(jnp.uint32) + ks[1]
    for i in range(5):
        for r in _ROTS[i % 2]:
            x0 = x0 + x1
            x1 = (x1 << jnp.uint32(r)) | (x1 >> jnp.uint32(32 - r))
            x1 = x1 ^ x0
        x0 = x0 + ks[(i + 1) % 3]
        x1 = x1 + ks[(i + 2) % 3] + jnp.uint32(i + 1)
    keep = (x0 ^ x1) >= jnp.uint32(0x80000000)
    x = x_ref[...].reshape(_ROWS, 128)
    out = jnp.where(keep, x * jnp.float32(2.0), jnp.float32(0.0))
    o_ref[...] = out.reshape(_BLOCK)


def kernel(x_indices, x_values):
    n = x_values.shape[0]
    oi_sc = pl.kernel(
        _idx_copy_sc,
        out_type=jax.ShapeDtypeStruct(x_indices.shape, x_indices.dtype),
        mesh=plsc.VectorSubcoreMesh(core_axis_name="c", subcore_axis_name="s"),
        scratch_types=[pltpu.VMEM((2, _W), jnp.int32)],
    )(x_indices)
    oi, out = pl.pallas_call(
        _dropout_body,
        grid=(pl.cdiv(n, _BLOCK),),
        in_specs=[
            pl.BlockSpec((2, _IBLK), lambda i: (0, i)),
            pl.BlockSpec((_BLOCK,), lambda i: (i,)),
            pl.BlockSpec(memory_space=pl.ANY),
        ],
        out_specs=[
            pl.BlockSpec((2, _IBLK), lambda i: (0, i)),
            pl.BlockSpec((_BLOCK,), lambda i: (i,)),
        ],
        out_shape=[
            jax.ShapeDtypeStruct(x_indices.shape, x_indices.dtype),
            jax.ShapeDtypeStruct((n,), jnp.float32),
        ],
        input_output_aliases={2: 0},
    )(x_indices, x_values, oi_sc)
    tail = lax.slice(x_indices, (0, _SCEND2), (2, _NNZ))
    oi = lax.dynamic_update_slice(oi, tail, (0, _SCEND2))
    return (oi, out)

# --- scband reference (transcript-rebuilt; emitter-appended) ---
"""Pipeline reference for scband-sparse-dropout-58213986730289 (READ-ONLY COPY).

The authoritative reference and input builder live on the scoring server;
editing this copy changes nothing except your own understanding.
"""

import jax, jax.numpy as jnp
import numpy as np

KPROB = 0.5
N = 65536
NNZ = 4294967

def setup_inputs(seed: int = 0) -> dict:
    key = jax.random.key(seed)
    k1, k2 = jax.random.split(key)
    x_indices = jax.random.randint(k1, (2, NNZ), 0, N, dtype=jnp.int64)
    x_values = jax.random.normal(k2, (NNZ,), dtype=jnp.float32)
    return {"x_indices": x_indices, "x_values": x_values}

def reference(x_indices, x_values):
    # SparseDropout: mask = floor(rand(nnz) + kprob).bool(); kept values scaled by 1/kprob.
    # JAX static-shape version: instead of filtering out dropped entries (data-dependent
    # shape), dropped entries become explicit zeros -- same sparse tensor semantically.
    mkey = jax.random.key(12345)
    u = jax.random.uniform(mkey, x_values.shape, dtype=jnp.float32)
    mask = jnp.floor(u + KPROB).astype(bool)
    out_values = jnp.where(mask, x_values * (1.0 / KPROB), jnp.zeros_like(x_values))
    # Output sparse tensor represented as (indices, values, shape-implicit)
    return (x_indices, out_values)

if __name__ == "__main__":
    import jax
    _d = setup_inputs()
    print(jax.jit(kernel)(*tuple(_d.values())))

</pallas_src>

<mosaic_0001>
#map = affine_map<(d0, d1) -> (0, 0)>
module attributes {stable_mosaic.version = 14 : i64} {
  func.func @_idx_copy_sc(%arg0: i32, %arg1: i32, %arg2: memref<2x4294967xi32, #tpu.memory_space<hbm>>, %arg3: memref<2x4294967xi32, #tpu.memory_space<hbm>>, %arg4: memref<2x16384xi32, #tpu.memory_space<vmem>>) attributes {dimension_semantics = [#tpu.dimension_semantics<core_parallel>, #tpu.dimension_semantics<subcore_parallel>], iteration_bounds = array<i64: 2, 16>, scalar_prefetch = 0 : i64, scratch_operands = 1 : i64, tpu.core_type = #tpu.core_type<sc_vector_subcore>, window_params = [{transform_indices = #map}, {transform_indices = #map}]} {
    %mul3A = arith.constant 2 : i32
    %mul3A_0 = arith.muli %arg1, %mul3A : i32
    %add3A = arith.addi %mul3A_0, %arg0 : i32
    %add3A_1 = arith.constant 0 : i32
    %add3A_2 = arith.addi %add3A_1, %add3A : i32
    %lt3A = arith.constant 113 : i32
    %lt3A_3 = arith.cmpi slt, %add3A_2, %lt3A : i32
    %convert_element_type3A = arith.extui %lt3A_3 : i1 to i32
    %cond3A = arith.constant 0 : i32
    %cond3A_4 = arith.cmpi ne, %convert_element_type3A, %cond3A : i32
    scf.if %cond3A_4 {
      %mul3A_30 = arith.constant 16384 : i32
      %mul3A_31 = arith.muli %add3A_2, %mul3A_30 : i32
      %add3A_32 = arith.constant 2433024 : i32
      %add3A_33 = arith.addi %add3A_32, %mul3A_31 : i32
      %multiple_of3A = tpu.assume_multiple %add3A_33, 128 : i32
      "tpu.region"() ({
        %run_scoped3A = tpu.sem_alloc : memref<!tpu.dma_semaphore, #tpu.memory_space<semaphore_mem>>
        %dma_start3A = arith.constant 0 : i32
        %dma_start3A_34 = tpu.memref_slice %arg2[%dma_start3A, %multiple_of3A] : memref<2x4294967xi32, #tpu.memory_space<hbm>> -> memref<2x16384xi32, #tpu.memory_space<hbm>>
        %dma_start3A_35 = arith.constant 0 : i32
        %dma_start3A_36 = tpu.memref_slice %arg2[%dma_start3A_35, %multiple_of3A] : memref<2x4294967xi32, #tpu.memory_space<hbm>> -> memref<2x16384xi32, #tpu.memory_space<hbm>>
        tpu.enqueue_dma source(%dma_start3A_36 : memref<2x16384xi32, #tpu.memory_space<hbm>>) target(%arg4 : memref<2x16384xi32, #tpu.memory_space<vmem>>) target_semaphore(%run_scoped3A : memref<!tpu.dma_semaphore, #tpu.memory_space<semaphore_mem>>)
        %dma_wait3A = arith.constant 0 : i32
        %dma_wait3A_37 = tpu.memref_slice %arg2[%dma_wait3A, %multiple_of3A] : memref<2x4294967xi32, #tpu.memory_space<hbm>> -> memref<2x16384xi32, #tpu.memory_space<hbm>>
        %dma_wait3A_38 = arith.constant 0 : i32
        %dma_wait3A_39 = tpu.memref_slice %arg2[%dma_wait3A_38, %multiple_of3A] : memref<2x4294967xi32, #tpu.memory_space<hbm>> -> memref<2x16384xi32, #tpu.memory_space<hbm>>
        tpu.wait_dma2 semaphore(%run_scoped3A : memref<!tpu.dma_semaphore, #tpu.memory_space<semaphore_mem>>) src(%dma_wait3A_39 : memref<2x16384xi32, #tpu.memory_space<hbm>>) dst(%arg4 : memref<2x16384xi32, #tpu.memory_space<vmem>>)
        tpu.yield
      }) : () -> ()
      "tpu.region"() ({
        %run_scoped3A = tpu.sem_alloc : memref<!tpu.dma_semaphore, #tpu.memory_space<semaphore_mem>>
        %dma_start3A = arith.constant 0 : i32
        %dma_start3A_34 = tpu.memref_slice %arg3[%dma_start3A, %multiple_of3A] : memref<2x4294967xi32, #tpu.memory_space<hbm>> -> memref<2x16384xi32, #tpu.memory_space<hbm>>
        %dma_start3A_35 = arith.constant 0 : i32
        %dma_start3A_36 = tpu.memref_slice %arg3[%dma_start3A_35, %multiple_of3A] : memref<2x4294967xi32, #tpu.memory_space<hbm>> -> memref<2x16384xi32, #tpu.memory_space<hbm>>
        tpu.enqueue_dma source(%arg4 : memref<2x16384xi32, #tpu.memory_space<vmem>>) target(%dma_start3A_36 : memref<2x16384xi32, #tpu.memory_space<hbm>>) target_semaphore(%run_scoped3A : memref<!tpu.dma_semaphore, #tpu.memory_space<semaphore_mem>>)
        %dma_wait3A = arith.constant 0 : i32
        %dma_wait3A_37 = tpu.memref_slice %arg3[%dma_wait3A, %multiple_of3A] : memref<2x4294967xi32, #tpu.memory_space<hbm>> -> memref<2x16384xi32, #tpu.memory_space<hbm>>
        %dma_wait3A_38 = arith.constant 0 : i32
        %dma_wait3A_39 = tpu.memref_slice %arg3[%dma_wait3A_38, %multiple_of3A] : memref<2x4294967xi32, #tpu.memory_space<hbm>> -> memref<2x16384xi32, #tpu.memory_space<hbm>>
        tpu.wait_dma2 semaphore(%run_scoped3A : memref<!tpu.dma_semaphore, #tpu.memory_space<semaphore_mem>>) src(%arg4 : memref<2x16384xi32, #tpu.memory_space<vmem>>) dst(%dma_wait3A_39 : memref<2x16384xi32, #tpu.memory_space<hbm>>)
        tpu.yield
      }) : () -> ()
    } else {
    }
    %add3A_5 = arith.constant 32 : i32
    %add3A_6 = arith.addi %add3A_5, %add3A : i32
    %lt3A_7 = arith.constant 113 : i32
    %lt3A_8 = arith.cmpi slt, %add3A_6, %lt3A_7 : i32
    %convert_element_type3A_9 = arith.extui %lt3A_8 : i1 to i32
    %cond3A_10 = arith.constant 0 : i32
    %cond3A_11 = arith.cmpi ne, %convert_element_type3A_9, %cond3A_10 : i32
    scf.if %cond3A_11 {
      %mul3A_30 = arith.constant 16384 : i32
      %mul3A_31 = arith.muli %add3A_6, %mul3A_30 : i32
      %add3A_32 = arith.constant 2433024 : i32
      %add3A_33 = arith.addi %add3A_32, %mul3A_31 : i32
      %multiple_of3A = tpu.assume_multiple %add3A_33, 128 : i32
      "tpu.region"() ({
        %run_scoped3A = tpu.sem_alloc : memref<!tpu.dma_semaphore, #tpu.memory_space<semaphore_mem>>
        %dma_start3A = arith.constant 0 : i32
        %dma_start3A_34 = tpu.memref_slice %arg2[%dma_start3A, %multiple_of3A] : memref<2x4294967xi32, #tpu.memory_space<hbm>> -> memref<2x16384xi32, #tpu.memory_space<hbm>>
        %dma_start3A_35 = arith.constant 0 : i32
        %dma_start3A_36 = tpu.memref_slice %arg2[%dma_start3A_35, %multiple_of3A] : memref<2x4294967xi32, #tpu.memory_space<hbm>> -> memref<2x16384xi32, #tpu.memory_space<hbm>>
        tpu.enqueue_dma source(%dma_start3A_36 : memref<2x16384xi32, #tpu.memory_space<hbm>>) target(%arg4 : memref<2x16384xi32, #tpu.memory_space<vmem>>) target_semaphore(%run_scoped3A : memref<!tpu.dma_semaphore, #tpu.memory_space<semaphore_mem>>)
        %dma_wait3A = arith.constant 0 : i32
        %dma_wait3A_37 = tpu.memref_slice %arg2[%dma_wait3A, %multiple_of3A] : memref<2x4294967xi32, #tpu.memory_space<hbm>> -> memref<2x16384xi32, #tpu.memory_space<hbm>>
        %dma_wait3A_38 = arith.constant 0 : i32
        %dma_wait3A_39 = tpu.memref_slice %arg2[%dma_wait3A_38, %multiple_of3A] : memref<2x4294967xi32, #tpu.memory_space<hbm>> -> memref<2x16384xi32, #tpu.memory_space<hbm>>
        tpu.wait_dma2 semaphore(%run_scoped3A : memref<!tpu.dma_semaphore, #tpu.memory_space<semaphore_mem>>) src(%dma_wait3A_39 : memref<2x16384xi32, #tpu.memory_space<hbm>>) dst(%arg4 : memref<2x16384xi32, #tpu.memory_space<vmem>>)
        tpu.yield
      }) : () -> ()
      "tpu.region"() ({
        %run_scoped3A = tpu.sem_alloc : memref<!tpu.dma_semaphore, #tpu.memory_space<semaphore_mem>>
        %dma_start3A = arith.constant 0 : i32
        %dma_start3A_34 = tpu.memref_slice %arg3[%dma_start3A, %multiple_of3A] : memref<2x4294967xi32, #tpu.memory_space<hbm>> -> memref<2x16384xi32, #tpu.memory_space<hbm>>
        %dma_start3A_35 = arith.constant 0 : i32
        %dma_start3A_36 = tpu.memref_slice %arg3[%dma_start3A_35, %multiple_of3A] : memref<2x4294967xi32, #tpu.memory_space<hbm>> -> memref<2x16384xi32, #tpu.memory_space<hbm>>
        tpu.enqueue_dma source(%arg4 : memref<2x16384xi32, #tpu.memory_space<vmem>>) target(%dma_start3A_36 : memref<2x16384xi32, #tpu.memory_space<hbm>>) target_semaphore(%run_scoped3A : memref<!tpu.dma_semaphore, #tpu.memory_space<semaphore_mem>>)
        %dma_wait3A = arith.constant 0 : i32
        %dma_wait3A_37 = tpu.memref_slice %arg3[%dma_wait3A, %multiple_of3A] : memref<2x4294967xi32, #tpu.memory_space<hbm>> -> memref<2x16384xi32, #tpu.memory_space<hbm>>
        %dma_wait3A_38 = arith.constant 0 : i32
        %dma_wait3A_39 = tpu.memref_slice %arg3[%dma_wait3A_38, %multiple_of3A] : memref<2x4294967xi32, #tpu.memory_space<hbm>> -> memref<2x16384xi32, #tpu.memory_space<hbm>>
        tpu.wait_dma2 semaphore(%run_scoped3A : memref<!tpu.dma_semaphore, #tpu.memory_space<semaphore_mem>>) src(%arg4 : memref<2x16384xi32, #tpu.memory_space<vmem>>) dst(%dma_wait3A_39 : memref<2x16384xi32, #tpu.memory_space<hbm>>)
        tpu.yield
      }) : () -> ()
    } else {
    }
    %add3A_12 = arith.constant 64 : i32
    %add3A_13 = arith.addi %add3A_12, %add3A : i32
    %lt3A_14 = arith.constant 113 : i32
    %lt3A_15 = arith.cmpi slt, %add3A_13, %lt3A_14 : i32
    %convert_element_type3A_16 = arith.extui %lt3A_15 : i1 to i32
    %cond3A_17 = arith.constant 0 : i32
    %cond3A_18 = arith.cmpi ne, %convert_element_type3A_16, %cond3A_17 : i32
    scf.if %cond3A_18 {
      %mul3A_30 = arith.constant 16384 : i32
      %mul3A_31 = arith.muli %add3A_13, %mul3A_30 : i32
      %add3A_32 = arith.constant 2433024 : i32
      %add3A_33 = arith.addi %add3A_32, %mul3A_31 : i32
      %multiple_of3A = tpu.assume_multiple %add3A_33, 128 : i32
      "tpu.region"() ({
        %run_scoped3A = tpu.sem_alloc : memref<!tpu.dma_semaphore, #tpu.memory_space<semaphore_mem>>
        %dma_start3A = arith.constant 0 : i32
        %dma_start3A_34 = tpu.memref_slice %arg2[%dma_start3A, %multiple_of3A] : memref<2x4294967xi32, #tpu.memory_space<hbm>> -> memref<2x16384xi32, #tpu.memory_space<hbm>>
        %dma_start3A_35 = arith.constant 0 : i32
        %dma_start3A_36 = tpu.memref_slice %arg2[%dma_start3A_35, %multiple_of3A] : memref<2x4294967xi32, #tpu.memory_space<hbm>> -> memref<2x16384xi32, #tpu.memory_space<hbm>>
        tpu.enqueue_dma source(%dma_start3A_36 : memref<2x16384xi32, #tpu.memory_space<hbm>>) target(%arg4 : memref<2x16384xi32, #tpu.memory_space<vmem>>) target_semaphore(%run_scoped3A : memref<!tpu.dma_semaphore, #tpu.memory_space<semaphore_mem>>)
        %dma_wait3A = arith.constant 0 : i32
        %dma_wait3A_37 = tpu.memref_slice %arg2[%dma_wait3A, %multiple_of3A] : memref<2x4294967xi32, #tpu.memory_space<hbm>> -> memref<2x16384xi32, #tpu.memory_space<hbm>>
        %dma_wait3A_38 = arith.constant 0 : i32
        %dma_wait3A_39 = tpu.memref_slice %arg2[%dma_wait3A_38, %multiple_of3A] : memref<2x4294967xi32, #tpu.memory_space<hbm>> -> memref<2x16384xi32, #tpu.memory_space<hbm>>
        tpu.wait_dma2 semaphore(%run_scoped3A : memref<!tpu.dma_semaphore, #tpu.memory_space<semaphore_mem>>) src(%dma_wait3A_39 : memref<2x16384xi32, #tpu.memory_space<hbm>>) dst(%arg4 : memref<2x16384xi32, #tpu.memory_space<vmem>>)
        tpu.yield
      }) : () -> ()
      "tpu.region"() ({
        %run_scoped3A = tpu.sem_alloc : memref<!tpu.dma_semaphore, #tpu.memory_space<semaphore_mem>>
        %dma_start3A = arith.constant 0 : i32
        %dma_start3A_34 = tpu.memref_slice %arg3[%dma_start3A, %multiple_of3A] : memref<2x4294967xi32, #tpu.memory_space<hbm>> -> memref<2x16384xi32, #tpu.memory_space<hbm>>
        %dma_start3A_35 = arith.constant 0 : i32
        %dma_start3A_36 = tpu.memref_slice %arg3[%dma_start3A_35, %multiple_of3A] : memref<2x4294967xi32, #tpu.memory_space<hbm>> -> memref<2x16384xi32, #tpu.memory_space<hbm>>
        tpu.enqueue_dma source(%arg4 : memref<2x16384xi32, #tpu.memory_space<vmem>>) target(%dma_start3A_36 : memref<2x16384xi32, #tpu.memory_space<hbm>>) target_semaphore(%run_scoped3A : memref<!tpu.dma_semaphore, #tpu.memory_space<semaphore_mem>>)
        %dma_wait3A = arith.constant 0 : i32
        %dma_wait3A_37 = tpu.memref_slice %arg3[%dma_wait3A, %multiple_of3A] : memref<2x4294967xi32, #tpu.memory_space<hbm>> -> memref<2x16384xi32, #tpu.memory_space<hbm>>
        %dma_wait3A_38 = arith.constant 0 : i32
        %dma_wait3A_39 = tpu.memref_slice %arg3[%dma_wait3A_38, %multiple_of3A] : memref<2x4294967xi32, #tpu.memory_space<hbm>> -> memref<2x16384xi32, #tpu.memory_space<hbm>>
        tpu.wait_dma2 semaphore(%run_scoped3A : memref<!tpu.dma_semaphore, #tpu.memory_space<semaphore_mem>>) src(%arg4 : memref<2x16384xi32, #tpu.memory_space<vmem>>) dst(%dma_wait3A_39 : memref<2x16384xi32, #tpu.memory_space<hbm>>)
        tpu.yield
      }) : () -> ()
    } else {
    }
    %add3A_19 = arith.constant 96 : i32
    %add3A_20 = arith.addi %add3A_19, %add3A : i32
    %lt3A_21 = arith.constant 113 : i32
    %lt3A_22 = arith.cmpi slt, %add3A_20, %lt3A_21 : i32
    %convert_element_type3A_23 = arith.extui %lt3A_22 : i1 to i32
    %cond3A_24 = arith.constant 0 : i32
    %cond3A_25 = arith.cmpi ne, %convert_element_type3A_23, %cond3A_24 : i32
    scf.if %cond3A_25 {
      %mul3A_30 = arith.constant 16384 : i32
      %mul3A_31 = arith.muli %add3A_20, %mul3A_30 : i32
      %add3A_32 = arith.constant 2433024 : i32
      %add3A_33 = arith.addi %add3A_32, %mul3A_31 : i32
      %multiple_of3A = tpu.assume_multiple %add3A_33, 128 : i32
      "tpu.region"() ({
        %run_scoped3A = tpu.sem_alloc : memref<!tpu.dma_semaphore, #tpu.memory_space<semaphore_mem>>
        %dma_start3A = arith.constant 0 : i32
        %dma_start3A_34 = tpu.memref_slice %arg2[%dma_start3A, %multiple_of3A] : memref<2x4294967xi32, #tpu.memory_space<hbm>> -> memref<2x16384xi32, #tpu.memory_space<hbm>>
        %dma_start3A_35 = arith.constant 0 : i32
        %dma_start3A_36 = tpu.memref_slice %arg2[%dma_start3A_35, %multiple_of3A] : memref<2x4294967xi32, #tpu.memory_space<hbm>> -> memref<2x16384xi32, #tpu.memory_space<hbm>>
        tpu.enqueue_dma source(%dma_start3A_36 : memref<2x16384xi32, #tpu.memory_space<hbm>>) target(%arg4 : memref<2x16384xi32, #tpu.memory_space<vmem>>) target_semaphore(%run_scoped3A : memref<!tpu.dma_semaphore, #tpu.memory_space<semaphore_mem>>)
        %dma_wait3A = arith.constant 0 : i32
        %dma_wait3A_37 = tpu.memref_slice %arg2[%dma_wait3A, %multiple_of3A] : memref<2x4294967xi32, #tpu.memory_space<hbm>> -> memref<2x16384xi32, #tpu.memory_space<hbm>>
        %dma_wait3A_38 = arith.constant 0 : i32
        %dma_wait3A_39 = tpu.memref_slice %arg2[%dma_wait3A_38, %multiple_of3A] : memref<2x4294967xi32, #tpu.memory_space<hbm>> -> memref<2x16384xi32, #tpu.memory_space<hbm>>
        tpu.wait_dma2 semaphore(%run_scoped3A : memref<!tpu.dma_semaphore, #tpu.memory_space<semaphore_mem>>) src(%dma_wait3A_39 : memref<2x16384xi32, #tpu.memory_space<hbm>>) dst(%arg4 : memref<2x16384xi32, #tpu.memory_space<vmem>>)
        tpu.yield
      }) : () -> ()
      "tpu.region"() ({
        %run_scoped3A = tpu.sem_alloc : memref<!tpu.dma_semaphore, #tpu.memory_space<semaphore_mem>>
        %dma_start3A = arith.constant 0 : i32
        %dma_start3A_34 = tpu.memref_slice %arg3[%dma_start3A, %multiple_of3A] : memref<2x4294967xi32, #tpu.memory_space<hbm>> -> memref<2x16384xi32, #tpu.memory_space<hbm>>
        %dma_start3A_35 = arith.constant 0 : i32
        %dma_start3A_36 = tpu.memref_slice %arg3[%dma_start3A_35, %multiple_of3A] : memref<2x4294967xi32, #tpu.memory_space<hbm>> -> memref<2x16384xi32, #tpu.memory_space<hbm>>
        tpu.enqueue_dma source(%arg4 : memref<2x16384xi32, #tpu.memory_space<vmem>>) target(%dma_start3A_36 : memref<2x16384xi32, #tpu.memory_space<hbm>>) target_semaphore(%run_scoped3A : memref<!tpu.dma_semaphore, #tpu.memory_space<semaphore_mem>>)
        %dma_wait3A = arith.constant 0 : i32
        %dma_wait3A_37 = tpu.memref_slice %arg3[%dma_wait3A, %multiple_of3A] : memref<2x4294967xi32, #tpu.memory_space<hbm>> -> memref<2x16384xi32, #tpu.memory_space<hbm>>
        %dma_wait3A_38 = arith.constant 0 : i32
        %dma_wait3A_39 = tpu.memref_slice %arg3[%dma_wait3A_38, %multiple_of3A] : memref<2x4294967xi32, #tpu.memory_space<hbm>> -> memref<2x16384xi32, #tpu.memory_space<hbm>>
        tpu.wait_dma2 semaphore(%run_scoped3A : memref<!tpu.dma_semaphore, #tpu.memory_space<semaphore_mem>>) src(%arg4 : memref<2x16384xi32, #tpu.memory_space<vmem>>) dst(%dma_wait3A_39 : memref<2x16384xi32, #tpu.memory_space<hbm>>)
        tpu.yield
      }) : () -> ()
    } else {
    }
    %eq3A = arith.constant 31 : i32
    %eq3A_26 = arith.cmpi eq, %add3A, %eq3A : i32
    %convert_element_type3A_27 = arith.extui %eq3A_26 : i1 to i32
    %cond3A_28 = arith.constant 0 : i32
    %cond3A_29 = arith.cmpi ne, %convert_element_type3A_27, %cond3A_28 : i32
    scf.if %cond3A_29 {
      "tpu.region"() ({
        %run_scoped3A = tpu.sem_alloc : memref<!tpu.dma_semaphore, #tpu.memory_space<semaphore_mem>>
        %dma_start3A = arith.constant 0 : i32
        %dma_start3A_30 = arith.constant 0 : i32
        %dma_start3A_31 = tpu.memref_slice %arg4[%dma_start3A, %dma_start3A_30] : memref<2x16384xi32, #tpu.memory_space<vmem>> -> memref<2x10496xi32, #tpu.memory_space<vmem>>
        %dma_start3A_32 = arith.constant 0 : i32
        %dma_start3A_33 = arith.constant 4284416 : i32
        %dma_start3A_34 = tpu.memref_slice %arg2[%dma_start3A_32, %dma_start3A_33] : memref<2x4294967xi32, #tpu.memory_space<hbm>> -> memref<2x10496xi32, #tpu.memory_space<hbm>>
        %dma_start3A_35 = arith.constant 0 : i32
        %dma_start3A_36 = arith.constant 0 : i32
        %dma_start3A_37 = tpu.memref_slice %arg4[%dma_start3A_35, %dma_start3A_36] : memref<2x16384xi32, #tpu.memory_space<vmem>> -> memref<2x10496xi32, #tpu.memory_space<vmem>>
        %dma_start3A_38 = arith.constant 0 : i32
        %dma_start3A_39 = arith.constant 4284416 : i32
        %dma_start3A_40 = tpu.memref_slice %arg2[%dma_start3A_38, %dma_start3A_39] : memref<2x4294967xi32, #tpu.memory_space<hbm>> -> memref<2x10496xi32, #tpu.memory_space<hbm>>
        tpu.enqueue_dma source(%dma_start3A_40 : memref<2x10496xi32, #tpu.memory_space<hbm>>) target(%dma_start3A_37 : memref<2x10496xi32, #tpu.memory_space<vmem>>) target_semaphore(%run_scoped3A : memref<!tpu.dma_semaphore, #tpu.memory_space<semaphore_mem>>)
        %dma_wait3A = arith.constant 0 : i32
        %dma_wait3A_41 = arith.constant 0 : i32
        %dma_wait3A_42 = tpu.memref_slice %arg4[%dma_wait3A, %dma_wait3A_41] : memref<2x16384xi32, #tpu.memory_space<vmem>> -> memref<2x10496xi32, #tpu.memory_space<vmem>>
        %dma_wait3A_43 = arith.constant 0 : i32
        %dma_wait3A_44 = arith.constant 4284416 : i32
        %dma_wait3A_45 = tpu.memref_slice %arg2[%dma_wait3A_43, %dma_wait3A_44] : memref<2x4294967xi32, #tpu.memory_space<hbm>> -> memref<2x10496xi32, #tpu.memory_space<hbm>>
        %dma_wait3A_46 = arith.constant 0 : i32
        %dma_wait3A_47 = arith.constant 0 : i32
        %dma_wait3A_48 = tpu.memref_slice %arg4[%dma_wait3A_46, %dma_wait3A_47] : memref<2x16384xi32, #tpu.memory_space<vmem>> -> memref<2x10496xi32, #tpu.memory_space<vmem>>
        %dma_wait3A_49 = arith.constant 0 : i32
        %dma_wait3A_50 = arith.constant 4284416 : i32
        %dma_wait3A_51 = tpu.memref_slice %arg2[%dma_wait3A_49, %dma_wait3A_50] : memref<2x4294967xi32, #tpu.memory_space<hbm>> -> memref<2x10496xi32, #tpu.memory_space<hbm>>
        tpu.wait_dma2 semaphore(%run_scoped3A : memref<!tpu.dma_semaphore, #tpu.memory_space<semaphore_mem>>) src(%dma_wait3A_51 : memref<2x10496xi32, #tpu.memory_space<hbm>>) dst(%dma_wait3A_48 : memref<2x10496xi32, #tpu.memory_space<vmem>>)
        tpu.yield
      }) : () -> ()
      "tpu.region"() ({
        %run_scoped3A = tpu.sem_alloc : memref<!tpu.dma_semaphore, #tpu.memory_space<semaphore_mem>>
        %dma_start3A = arith.constant 0 : i32
        %dma_start3A_30 = arith.constant 0 : i32
        %dma_start3A_31 = tpu.memref_slice %arg4[%dma_start3A, %dma_start3A_30] : memref<2x16384xi32, #tpu.memory_space<vmem>> -> memref<2x10496xi32, #tpu.memory_space<vmem>>
        %dma_start3A_32 = arith.constant 0 : i32
        %dma_start3A_33 = arith.constant 4284416 : i32
        %dma_start3A_34 = tpu.memref_slice %arg3[%dma_start3A_32, %dma_start3A_33] : memref<2x4294967xi32, #tpu.memory_space<hbm>> -> memref<2x10496xi32, #tpu.memory_space<hbm>>
        %dma_start3A_35 = arith.constant 0 : i32
        %dma_start3A_36 = arith.constant 4284416 : i32
        %dma_start3A_37 = tpu.memref_slice %arg3[%dma_start3A_35, %dma_start3A_36] : memref<2x4294967xi32, #tpu.memory_space<hbm>> -> memref<2x10496xi32, #tpu.memory_space<hbm>>
        %dma_start3A_38 = arith.constant 0 : i32
        %dma_start3A_39 = arith.constant 0 : i32
        %dma_start3A_40 = tpu.memref_slice %arg4[%dma_start3A_38, %dma_start3A_39] : memref<2x16384xi32, #tpu.memory_space<vmem>> -> memref<2x10496xi32, #tpu.memory_space<vmem>>
        tpu.enqueue_dma source(%dma_start3A_40 : memref<2x10496xi32, #tpu.memory_space<vmem>>) target(%dma_start3A_37 : memref<2x10496xi32, #tpu.memory_space<hbm>>) target_semaphore(%run_scoped3A : memref<!tpu.dma_semaphore, #tpu.memory_space<semaphore_mem>>)
        %dma_wait3A = arith.constant 0 : i32
        %dma_wait3A_41 = arith.constant 0 : i32
        %dma_wait3A_42 = tpu.memref_slice %arg4[%dma_wait3A, %dma_wait3A_41] : memref<2x16384xi32, #tpu.memory_space<vmem>> -> memref<2x10496xi32, #tpu.memory_space<vmem>>
        %dma_wait3A_43 = arith.constant 0 : i32
        %dma_wait3A_44 = arith.constant 4284416 : i32
        %dma_wait3A_45 = tpu.memref_slice %arg3[%dma_wait3A_43, %dma_wait3A_44] : memref<2x4294967xi32, #tpu.memory_space<hbm>> -> memref<2x10496xi32, #tpu.memory_space<hbm>>
        %dma_wait3A_46 = arith.constant 0 : i32
        %dma_wait3A_47 = arith.constant 4284416 : i32
        %dma_wait3A_48 = tpu.memref_slice %arg3[%dma_wait3A_46, %dma_wait3A_47] : memref<2x4294967xi32, #tpu.memory_space<hbm>> -> memref<2x10496xi32, #tpu.memory_space<hbm>>
        %dma_wait3A_49 = arith.constant 0 : i32
        %dma_wait3A_50 = arith.constant 0 : i32
        %dma_wait3A_51 = tpu.memref_slice %arg4[%dma_wait3A_49, %dma_wait3A_50] : memref<2x16384xi32, #tpu.memory_space<vmem>> -> memref<2x10496xi32, #tpu.memory_space<vmem>>
        tpu.wait_dma2 semaphore(%run_scoped3A : memref<!tpu.dma_semaphore, #tpu.memory_space<semaphore_mem>>) src(%dma_wait3A_51 : memref<2x10496xi32, #tpu.memory_space<vmem>>) dst(%dma_wait3A_48 : memref<2x10496xi32, #tpu.memory_space<hbm>>)
        tpu.yield
      }) : () -> ()
    } else {
    }
    return
  }
}

module attributes {stable_mosaic.version = 14 : i64} {
  func.func @_dropout_body(%arg0: i32, %arg1: memref<2x73728xi32, #tpu.memory_space<vmem>>, %arg2: memref<131072xf32, #tpu.memory_space<vmem>>, %arg3: memref<2x4294967xi32, #tpu.memory_space<any>>, %arg4: memref<2x73728xi32, #tpu.memory_space<vmem>>, %arg5: memref<131072xf32, #tpu.memory_space<vmem>>) attributes {dimension_semantics = [#tpu.dimension_semantics<arbitrary>], iteration_bounds = array<i64: 33>, scalar_prefetch = 0 : i64, scratch_operands = 0 : i64, tpu.core_type = #tpu.core_type<tc>, window_params = [{transform_indices = @transform_0, window_bounds = array<i64: 2, 73728>}, {transform_indices = @transform_1, window_bounds = array<i64: 131072>}, {}, {transform_indices = @transform_3, window_bounds = array<i64: 2, 73728>}, {transform_indices = @transform_4, window_bounds = array<i64: 131072>}]} {
    %get3A = arith.constant 0 : index
    %get3A_0 = arith.constant 0 : index
    %get3A_1 = vector.load %arg1[%get3A, %get3A_0] : memref<2x73728xi32, #tpu.memory_space<vmem>>, vector<2x73728xi32>
    %swap3A = arith.constant 0 : index
    %swap3A_2 = arith.constant 0 : index
    %swap3A_3 = vector.load %arg4[%swap3A, %swap3A_2] : memref<2x73728xi32, #tpu.memory_space<vmem>>, vector<2x73728xi32>
    tpu.vector_store %arg4[%swap3A, %swap3A_2], %get3A_1 {strides = array<i32>} : memref<2x73728xi32, #tpu.memory_space<vmem>>, vector<2x73728xi32>,
    %mul3A = arith.constant 131072 : i32
    %mul3A_4 = arith.muli %arg0, %mul3A : i32
    %iota3A = tpu.iota {dimensions = array<i32: 0>} : vector<1024x128xi32>
    %mul3A_5 = arith.constant 128 : i32
    %mul3A_6 = vector.broadcast %mul3A_5 : i32 to vector<1024x128xi32>
    %mul3A_7 = arith.muli %mul3A_6, %iota3A : vector<1024x128xi32>
    %add3A = vector.broadcast %mul3A_4 : i32 to vector<1024x128xi32>
    %add3A_8 = arith.addi %add3A, %mul3A_7 : vector<1024x128xi32>
    %iota3A_9 = tpu.iota {dimensions = array<i32: 1>} : vector<1024x128xi32>
    %add3A_10 = arith.addi %add3A_8, %iota3A_9 : vector<1024x128xi32>
    %broadcast_in_dim3A = arith.constant 0 : i32
    %broadcast_in_dim3A_11 = vector.broadcast %broadcast_in_dim3A : i32 to vector<1024x128xi32>
    %add3A_12 = arith.constant 12345 : i32
    %add3A_13 = vector.broadcast %add3A_12 : i32 to vector<1024x128xi32>
    %add3A_14 = arith.addi %add3A_10, %add3A_13 : vector<1024x128xi32>
    %add3A_15 = arith.addi %broadcast_in_dim3A_11, %add3A_14 : vector<1024x128xi32>
    %shift_left3A = arith.constant 13 : i32
    %shift_left3A_16 = vector.broadcast %shift_left3A : i32 to vector<1024x128xi32>
    %shift_left3A_17 = arith.shli %add3A_14, %shift_left3A_16 : vector<1024x128xi32>
    %shift_right_logical3A = arith.constant 19 : i32
    %shift_right_logical3A_18 = vector.broadcast %shift_right_logical3A : i32 to vector<1024x128xi32>
    %shift_right_logical3A_19 = arith.shrui %add3A_14, %shift_right_logical3A_18 : vector<1024x128xi32>
    %or3A = arith.ori %shift_left3A_17, %shift_right_logical3A_19 : vector<1024x128xi32>
    %xor3A = arith.xori %or3A, %add3A_15 : vector<1024x128xi32>
    %add3A_20 = arith.addi %add3A_15, %xor3A : vector<1024x128xi32>
    %shift_left3A_21 = arith.constant 15 : i32
    %shift_left3A_22 = vector.broadcast %shift_left3A_21 : i32 to vector<1024x128xi32>
    %shift_left3A_23 = arith.shli %xor3A, %shift_left3A_22 : vector<1024x128xi32>
    %shift_right_logical3A_24 = arith.constant 17 : i32
    %shift_right_logical3A_25 = vector.broadcast %shift_right_logical3A_24 : i32 to vector<1024x128xi32>
    %shift_right_logical3A_26 = arith.shrui %xor3A, %shift_right_logical3A_25 : vector<1024x128xi32>
    %or3A_27 = arith.ori %shift_left3A_23, %shift_right_logical3A_26 : vector<1024x128xi32>
    %xor3A_28 = arith.xori %or3A_27, %add3A_20 : vector<1024x128xi32>
    %add3A_29 = arith.addi %add3A_20, %xor3A_28 : vector<1024x128xi32>
    %shift_left3A_30 = arith.constant 26 : i32
    %shift_left3A_31 = vector.broadcast %shift_left3A_30 : i32 to vector<1024x128xi32>
    %shift_left3A_32 = arith.shli %xor3A_28, %shift_left3A_31 : vector<1024x128xi32>
    %shift_right_logical3A_33 = arith.constant 6 : i32
    %shift_right_logical3A_34 = vector.broadcast %shift_right_logical3A_33 : i32 to vector<1024x128xi32>
    %shift_right_logical3A_35 = arith.shrui %xor3A_28, %shift_right_logical3A_34 : vector<1024x128xi32>
    %or3A_36 = arith.ori %shift_left3A_32, %shift_right_logical3A_35 : vector<1024x128xi32>
    %xor3A_37 = arith.xori %or3A_36, %add3A_29 : vector<1024x128xi32>
    %add3A_38 = arith.addi %add3A_29, %xor3A_37 : vector<1024x128xi32>
    %shift_left3A_39 = arith.constant 6 : i32
    %shift_left3A_40 = vector.broadcast %shift_left3A_39 : i32 to vector<1024x128xi32>
    %shift_left3A_41 = arith.shli %xor3A_37, %shift_left3A_40 : vector<1024x128xi32>
    %shift_right_logical3A_42 = arith.constant 26 : i32
    %shift_right_logical3A_43 = vector.broadcast %shift_right_logical3A_42 : i32 to vector<1024x128xi32>
    %shift_right_logical3A_44 = arith.shrui %xor3A_37, %shift_right_logical3A_43 : vector<1024x128xi32>
    %or3A_45 = arith.ori %shift_left3A_41, %shift_right_logical3A_44 : vector<1024x128xi32>
    %xor3A_46 = arith.xori %or3A_45, %add3A_38 : vector<1024x128xi32>
    %add3A_47 = arith.constant 12345 : i32
    %add3A_48 = vector.broadcast %add3A_47 : i32 to vector<1024x128xi32>
    %add3A_49 = arith.addi %add3A_38, %add3A_48 : vector<1024x128xi32>
    %add3A_50 = arith.constant 466693091 : i32
    %add3A_51 = vector.broadcast %add3A_50 : i32 to vector<1024x128xi32>
    %add3A_52 = arith.addi %xor3A_46, %add3A_51 : vector<1024x128xi32>
    %add3A_53 = arith.constant 1 : i32
    %add3A_54 = vector.broadcast %add3A_53 : i32 to vector<1024x128xi32>
    %add3A_55 = arith.addi %add3A_52, %add3A_54 : vector<1024x128xi32>
    %add3A_56 = arith.addi %add3A_49, %add3A_55 : vector<1024x128xi32>
    %shift_left3A_57 = arith.constant 17 : i32
    %shift_left3A_58 = vector.broadcast %shift_left3A_57 : i32 to vector<1024x128xi32>
    %shift_left3A_59 = arith.shli %add3A_55, %shift_left3A_58 : vector<1024x128xi32>
    %shift_right_logical3A_60 = arith.constant 15 : i32
    %shift_right_logical3A_61 = vector.broadcast %shift_right_logical3A_60 : i32 to vector<1024x128xi32>
    %shift_right_logical3A_62 = arith.shrui %add3A_55, %shift_right_logical3A_61 : vector<1024x128xi32>
    %or3A_63 = arith.ori %shift_left3A_59, %shift_right_logical3A_62 : vector<1024x128xi32>
    %xor3A_64 = arith.xori %or3A_63, %add3A_56 : vector<1024x128xi32>
    %add3A_65 = arith.addi %add3A_56, %xor3A_64 : vector<1024x128xi32>
    %shift_left3A_66 = arith.constant 29 : i32
    %shift_left3A_67 = vector.broadcast %shift_left3A_66 : i32 to vector<1024x128xi32>
    %shift_left3A_68 = arith.shli %xor3A_64, %shift_left3A_67 : vector<1024x128xi32>
    %shift_right_logical3A_69 = arith.constant 3 : i32
    %shift_right_logical3A_70 = vector.broadcast %shift_right_logical3A_69 : i32 to vector<1024x128xi32>
    %shift_right_logical3A_71 = arith.shrui %xor3A_64, %shift_right_logical3A_70 : vector<1024x128xi32>
    %or3A_72 = arith.ori %shift_left3A_68, %shift_right_logical3A_71 : vector<1024x128xi32>
    %xor3A_73 = arith.xori %or3A_72, %add3A_65 : vector<1024x128xi32>
    %add3A_74 = arith.addi %add3A_65, %xor3A_73 : vector<1024x128xi32>
    %shift_left3A_75 = arith.constant 16 : i32
    %shift_left3A_76 = vector.broadcast %shift_left3A_75 : i32 to vector<1024x128xi32>
    %shift_left3A_77 = arith.shli %xor3A_73, %shift_left3A_76 : vector<1024x128xi32>
    %shift_right_logical3A_78 = arith.constant 16 : i32
    %shift_right_logical3A_79 = vector.broadcast %shift_right_logical3A_78 : i32 to vector<1024x128xi32>
    %shift_right_logical3A_80 = arith.shrui %xor3A_73, %shift_right_logical3A_79 : vector<1024x128xi32>
    %or3A_81 = arith.ori %shift_left3A_77, %shift_right_logical3A_80 : vector<1024x128xi32>
    %xor3A_82 = arith.xori %or3A_81, %add3A_74 : vector<1024x128xi32>
    %add3A_83 = arith.addi %add3A_74, %xor3A_82 : vector<1024x128xi32>
    %shift_left3A_84 = arith.constant 24 : i32
    %shift_left3A_85 = vector.broadcast %shift_left3A_84 : i32 to vector<1024x128xi32>
    %shift_left3A_86 = arith.shli %xor3A_82, %shift_left3A_85 : vector<1024x128xi32>
    %shift_right_logical3A_87 = arith.constant 8 : i32
    %shift_right_logical3A_88 = vector.broadcast %shift_right_logical3A_87 : i32 to vector<1024x128xi32>
    %shift_right_logical3A_89 = arith.shrui %xor3A_82, %shift_right_logical3A_88 : vector<1024x128xi32>
    %or3A_90 = arith.ori %shift_left3A_86, %shift_right_logical3A_89 : vector<1024x128xi32>
    %xor3A_91 = arith.xori %or3A_90, %add3A_83 : vector<1024x128xi32>
    %add3A_92 = arith.constant 466693091 : i32
    %add3A_93 = vector.broadcast %add3A_92 : i32 to vector<1024x128xi32>
    %add3A_94 = arith.addi %add3A_83, %add3A_93 : vector<1024x128xi32>
    %add3A_95 = arith.constant 0 : i32
    %add3A_96 = vector.broadcast %add3A_95 : i32 to vector<1024x128xi32>
    %add3A_97 = arith.addi %xor3A_91, %add3A_96 : vector<1024x128xi32>
    %add3A_98 = arith.constant 2 : i32
    %add3A_99 = vector.broadcast %add3A_98 : i32 to vector<1024x128xi32>
    %add3A_100 = arith.addi %add3A_97, %add3A_99 : vector<1024x128xi32>
    %add3A_101 = arith.addi %add3A_94, %add3A_100 : vector<1024x128xi32>
    %shift_left3A_102 = arith.constant 13 : i32
    %shift_left3A_103 = vector.broadcast %shift_left3A_102 : i32 to vector<1024x128xi32>
    %shift_left3A_104 = arith.shli %add3A_100, %shift_left3A_103 : vector<1024x128xi32>
    %shift_right_logical3A_105 = arith.constant 19 : i32
    %shift_right_logical3A_106 = vector.broadcast %shift_right_logical3A_105 : i32 to vector<1024x128xi32>
    %shift_right_logical3A_107 = arith.shrui %add3A_100, %shift_right_logical3A_106 : vector<1024x128xi32>
    %or3A_108 = arith.ori %shift_left3A_104, %shift_right_logical3A_107 : vector<1024x128xi32>
    %xor3A_109 = arith.xori %or3A_108, %add3A_101 : vector<1024x128xi32>
    %add3A_110 = arith.addi %add3A_101, %xor3A_109 : vector<1024x128xi32>
    %shift_left3A_111 = arith.constant 15 : i32
    %shift_left3A_112 = vector.broadcast %shift_left3A_111 : i32 to vector<1024x128xi32>
    %shift_left3A_113 = arith.shli %xor3A_109, %shift_left3A_112 : vector<1024x128xi32>
    %shift_right_logical3A_114 = arith.constant 17 : i32
    %shift_right_logical3A_115 = vector.broadcast %shift_right_logical3A_114 : i32 to vector<1024x128xi32>
    %shift_right_logical3A_116 = arith.shrui %xor3A_109, %shift_right_logical3A_115 : vector<1024x128xi32>
    %or3A_117 = arith.ori %shift_left3A_113, %shift_right_logical3A_116 : vector<1024x128xi32>
    %xor3A_118 = arith.xori %or3A_117, %add3A_110 : vector<1024x128xi32>
    %add3A_119 = arith.addi %add3A_110, %xor3A_118 : vector<1024x128xi32>
    %shift_left3A_120 = arith.constant 26 : i32
    %shift_left3A_121 = vector.broadcast %shift_left3A_120 : i32 to vector<1024x128xi32>
    %shift_left3A_122 = arith.shli %xor3A_118, %shift_left3A_121 : vector<1024x128xi32>
    %shift_right_logical3A_123 = arith.constant 6 : i32
    %shift_right_logical3A_124 = vector.broadcast %shift_right_logical3A_123 : i32 to vector<1024x128xi32>
    %shift_right_logical3A_125 = arith.shrui %xor3A_118, %shift_right_logical3A_124 : vector<1024x128xi32>
    %or3A_126 = arith.ori %shift_left3A_122, %shift_right_logical3A_125 : vector<1024x128xi32>
    %xor3A_127 = arith.xori %or3A_126, %add3A_119 : vector<1024x128xi32>
    %add3A_128 = arith.addi %add3A_119, %xor3A_127 : vector<1024x128xi32>
    %shift_left3A_129 = arith.constant 6 : i32
    %shift_left3A_130 = vector.broadcast %shift_left3A_129 : i32 to vector<1024x128xi32>
    %shift_left3A_131 = arith.shli %xor3A_127, %shift_left3A_130 : vector<1024x128xi32>
    %shift_right_logical3A_132 = arith.constant 26 : i32
    %shift_right_logical3A_133 = vector.broadcast %shift_right_logical3A_132 : i32 to vector<1024x128xi32>
    %shift_right_logical3A_134 = arith.shrui %xor3A_127, %shift_right_logical3A_133 : vector<1024x128xi32>
    %or3A_135 = arith.ori %shift_left3A_131, %shift_right_logical3A_134 : vector<1024x128xi32>
    %xor3A_136 = arith.xori %or3A_135, %add3A_128 : vector<1024x128xi32>
    %add3A_137 = arith.constant 0 : i32
    %add3A_138 = vector.broadcast %add3A_137 : i32 to vector<1024x128xi32>
    %add3A_139 = arith.addi %add3A_128, %add3A_138 : vector<1024x128xi32>
    %add3A_140 = arith.constant 12345 : i32
    %add3A_141 = vector.broadcast %add3A_140 : i32 to vector<1024x128xi32>
    %add3A_142 = arith.addi %xor3A_136, %add3A_141 : vector<1024x128xi32>
    %add3A_143 = arith.constant 3 : i32
    %add3A_144 = vector.broadcast %add3A_143 : i32 to vector<1024x128xi32>
    %add3A_145 = arith.addi %add3A_142, %add3A_144 : vector<1024x128xi32>
    %add3A_146 = arith.addi %add3A_139, %add3A_145 : vector<1024x128xi32>
    %shift_left3A_147 = arith.constant 17 : i32
    %shift_left3A_148 = vector.broadcast %shift_left3A_147 : i32 to vector<1024x128xi32>
    %shift_left3A_149 = arith.shli %add3A_145, %shift_left3A_148 : vector<1024x128xi32>
    %shift_right_logical3A_150 = arith.constant 15 : i32
    %shift_right_logical3A_151 = vector.broadcast %shift_right_logical3A_150 : i32 to vector<1024x128xi32>
    %shift_right_logical3A_152 = arith.shrui %add3A_145, %shift_right_logical3A_151 : vector<1024x128xi32>
    %or3A_153 = arith.ori %shift_left3A_149, %shift_right_logical3A_152 : vector<1024x128xi32>
    %xor3A_154 = arith.xori %or3A_153, %add3A_146 : vector<1024x128xi32>
    %add3A_155 = arith.addi %add3A_146, %xor3A_154 : vector<1024x128xi32>
    %shift_left3A_156 = arith.constant 29 : i32
    %shift_left3A_157 = vector.broadcast %shift_left3A_156 : i32 to vector<1024x128xi32>
    %shift_left3A_158 = arith.shli %xor3A_154, %shift_left3A_157 : vector<1024x128xi32>
    %shift_right_logical3A_159 = arith.constant 3 : i32
    %shift_right_logical3A_160 = vector.broadcast %shift_right_logical3A_159 : i32 to vector<1024x128xi32>
    %shift_right_logical3A_161 = arith.shrui %xor3A_154, %shift_right_logical3A_160 : vector<1024x128xi32>
    %or3A_162 = arith.ori %shift_left3A_158, %shift_right_logical3A_161 : vector<1024x128xi32>
    %xor3A_163 = arith.xori %or3A_162, %add3A_155 : vector<1024x128xi32>
    %add3A_164 = arith.addi %add3A_155, %xor3A_163 : vector<1024x128xi32>
    %shift_left3A_165 = arith.constant 16 : i32
    %shift_left3A_166 = vector.broadcast %shift_left3A_165 : i32 to vector<1024x128xi32>
    %shift_left3A_167 = arith.shli %xor3A_163, %shift_left3A_166 : vector<1024x128xi32>
    %shift_right_logical3A_168 = arith.constant 16 : i32
    %shift_right_logical3A_169 = vector.broadcast %shift_right_logical3A_168 : i32 to vector<1024x128xi32>
    %shift_right_logical3A_170 = arith.shrui %xor3A_163, %shift_right_logical3A_169 : vector<1024x128xi32>
    %or3A_171 = arith.ori %shift_left3A_167, %shift_right_logical3A_170 : vector<1024x128xi32>
    %xor3A_172 = arith.xori %or3A_171, %add3A_164 : vector<1024x128xi32>
    %add3A_173 = arith.addi %add3A_164, %xor3A_172 : vector<1024x128xi32>
    %shift_left3A_174 = arith.constant 24 : i32
    %shift_left3A_175 = vector.broadcast %shift_left3A_174 : i32 to vector<1024x128xi32>
    %shift_left3A_176 = arith.shli %xor3A_172, %shift_left3A_175 : vector<1024x128xi32>
    %shift_right_logical3A_177 = arith.constant 8 : i32
    %shift_right_logical3A_178 = vector.broadcast %shift_right_logical3A_177 : i32 to vector<1024x128xi32>
    %shift_right_logical3A_179 = arith.shrui %xor3A_172, %shift_right_logical3A_178 : vector<1024x128xi32>
    %or3A_180 = arith.ori %shift_left3A_176, %shift_right_logical3A_179 : vector<1024x128xi32>
    %xor3A_181 = arith.xori %or3A_180, %add3A_173 : vector<1024x128xi32>
    %add3A_182 = arith.constant 12345 : i32
    %add3A_183 = vector.broadcast %add3A_182 : i32 to vector<1024x128xi32>
    %add3A_184 = arith.addi %add3A_173, %add3A_183 : vector<1024x128xi32>
    %add3A_185 = arith.constant 466693091 : i32
    %add3A_186 = vector.broadcast %add3A_185 : i32 to vector<1024x128xi32>
    %add3A_187 = arith.addi %xor3A_181, %add3A_186 : vector<1024x128xi32>
    %add3A_188 = arith.constant 4 : i32
    %add3A_189 = vector.broadcast %add3A_188 : i32 to vector<1024x128xi32>
    %add3A_190 = arith.addi %add3A_187, %add3A_189 : vector<1024x128xi32>
    %add3A_191 = arith.addi %add3A_184, %add3A_190 : vector<1024x128xi32>
    %shift_left3A_192 = arith.constant 13 : i32
    %shift_left3A_193 = vector.broadcast %shift_left3A_192 : i32 to vector<1024x128xi32>
    %shift_left3A_194 = arith.shli %add3A_190, %shift_left3A_193 : vector<1024x128xi32>
    %shift_right_logical3A_195 = arith.constant 19 : i32
    %shift_right_logical3A_196 = vector.broadcast %shift_right_logical3A_195 : i32 to vector<1024x128xi32>
    %shift_right_logical3A_197 = arith.shrui %add3A_190, %shift_right_logical3A_196 : vector<1024x128xi32>
    %or3A_198 = arith.ori %shift_left3A_194, %shift_right_logical3A_197 : vector<1024x128xi32>
    %xor3A_199 = arith.xori %or3A_198, %add3A_191 : vector<1024x128xi32>
    %add3A_200 = arith.addi %add3A_191, %xor3A_199 : vector<1024x128xi32>
    %shift_left3A_201 = arith.constant 15 : i32
    %shift_left3A_202 = vector.broadcast %shift_left3A_201 : i32 to vector<1024x128xi32>
    %shift_left3A_203 = arith.shli %xor3A_199, %shift_left3A_202 : vector<1024x128xi32>
    %shift_right_logical3A_204 = arith.constant 17 : i32
    %shift_right_logical3A_205 = vector.broadcast %shift_right_logical3A_204 : i32 to vector<1024x128xi32>
    %shift_right_logical3A_206 = arith.shrui %xor3A_199, %shift_right_logical3A_205 : vector<1024x128xi32>
    %or3A_207 = arith.ori %shift_left3A_203, %shift_right_logical3A_206 : vector<1024x128xi32>
    %xor3A_208 = arith.xori %or3A_207, %add3A_200 : vector<1024x128xi32>
    %add3A_209 = arith.addi %add3A_200, %xor3A_208 : vector<1024x128xi32>
    %shift_left3A_210 = arith.constant 26 : i32
    %shift_left3A_211 = vector.broadcast %shift_left3A_210 : i32 to vector<1024x128xi32>
    %shift_left3A_212 = arith.shli %xor3A_208, %shift_left3A_211 : vector<1024x128xi32>
    %shift_right_logical3A_213 = arith.constant 6 : i32
    %shift_right_logical3A_214 = vector.broadcast %shift_right_logical3A_213 : i32 to vector<1024x128xi32>
    %shift_right_logical3A_215 = arith.shrui %xor3A_208, %shift_right_logical3A_214 : vector<1024x128xi32>
    %or3A_216 = arith.ori %shift_left3A_212, %shift_right_logical3A_215 : vector<1024x128xi32>
    %xor3A_217 = arith.xori %or3A_216, %add3A_209 : vector<1024x128xi32>
    %add3A_218 = arith.addi %add3A_209, %xor3A_217 : vector<1024x128xi32>
    %shift_left3A_219 = arith.constant 6 : i32
    %shift_left3A_220 = vector.broadcast %shift_left3A_219 : i32 to vector<1024x128xi32>
    %shift_left3A_221 = arith.shli %xor3A_217, %shift_left3A_220 : vector<1024x128xi32>
    %shift_right_logical3A_222 = arith.constant 26 : i32
    %shift_right_logical3A_223 = vector.broadcast %shift_right_logical3A_222 : i32 to vector<1024x128xi32>
    %shift_right_logical3A_224 = arith.shrui %xor3A_217, %shift_right_logical3A_223 : vector<1024x128xi32>
    %or3A_225 = arith.ori %shift_left3A_221, %shift_right_logical3A_224 : vector<1024x128xi32>
    %xor3A_226 = arith.xori %or3A_225, %add3A_218 : vector<1024x128xi32>
    %add3A_227 = arith.constant 466693091 : i32
    %add3A_228 = vector.broadcast %add3A_227 : i32 to vector<1024x128xi32>
    %add3A_229 = arith.addi %add3A_218, %add3A_228 : vector<1024x128xi32>
    %add3A_230 = arith.constant 0 : i32
    %add3A_231 = vector.broadcast %add3A_230 : i32 to vector<1024x128xi32>
    %add3A_232 = arith.addi %xor3A_226, %add3A_231 : vector<1024x128xi32>
    %add3A_233 = arith.constant 5 : i32
    %add3A_234 = vector.broadcast %add3A_233 : i32 to vector<1024x128xi32>
    %add3A_235 = arith.addi %add3A_232, %add3A_234 : vector<1024x128xi32>
    %xor3A_236 = arith.xori %add3A_229, %add3A_235 : vector<1024x128xi32>
    %ge3A = arith.constant -2147483648 : i32
    %ge3A_237 = vector.broadcast %ge3A : i32 to vector<1024x128xi32>
    %ge3A_238 = arith.cmpi uge, %xor3A_236, %ge3A_237 : vector<1024x128xi32>
    %get3A_239 = arith.constant 0 : index
    %get3A_240 = vector.load %arg2[%get3A_239] : memref<131072xf32, #tpu.memory_space<vmem>>, vector<131072xf32>
    %reshape3A = vector.shape_cast %get3A_240 : vector<131072xf32> to vector<1024x128xf32>
    %mul3A_241 = arith.constant 2.000000e+00 : f32
    %mul3A_242 = vector.broadcast %mul3A_241 : f32 to vector<1024x128xf32>
    %mul3A_243 = arith.mulf %reshape3A, %mul3A_242 : vector<1024x128xf32>
    %jit3A = arith.constant 0.000000e+00 : f32
    %broadcast_in_dim3A_244 = vector.broadcast %jit3A : f32 to vector<1024x128xf32>
    %select_n3A = arith.select %ge3A_238, %mul3A_243, %broadcast_in_dim3A_244 : vector<1024x128xi1>, vector<1024x128xf32>
    %reshape3A_245 = vector.shape_cast %select_n3A : vector<1024x128xf32> to vector<131072xf32>
    %swap3A_246 = arith.constant 0 : index
    %swap3A_247 = vector.load %arg5[%swap3A_246] : memref<131072xf32, #tpu.memory_space<vmem>>, vector<131072xf32>
    tpu.vector_store %arg5[%swap3A_246], %reshape3A_245 {strides = array<i32>} : memref<131072xf32, #tpu.memory_space<vmem>>, vector<131072xf32>,
    return
  }
  func.func @transform_0(%arg0: i32) -> (i32, i32) {
    %c0_i32 = arith.constant 0 : i32
    %c0_i32_0 = arith.constant 0 : i32
    return %c0_i32, %arg0 : i32, i32
  }
  func.func @transform_1(%arg0: i32) -> i32 {
    %c0_i32 = arith.constant 0 : i32
    return %arg0 : i32
  }
  func.func @transform_3(%arg0: i32) -> (i32, i32) {
    %c0_i32 = arith.constant 0 : i32
    %c0_i32_0 = arith.constant 0 : i32
    return %c0_i32, %arg0 : i32, i32
  }
  func.func @transform_4(%arg0: i32) -> i32 {
    %c0_i32 = arith.constant 0 : i32
    return %arg0 : i32
  }
}

</mosaic_0001>

<sc_bundles>
// kernel: kernel.4.cloned.1.call-start
scs
__scs_entry_jumppad:
0x0: {  	(pc) =	sbr.rel $0x88, $3  }
0x1: {  	(tag) =	ssettag $0x0;
	lr =	simm.s32 $0x1  }
0x2: {  	[smem:$0x3F9F] =	sst lr;
	_ =	strace $0xD0000000  }
0x3: {  	_ = 	snop  }
0x4: {  	_ = 	snop  }
0x5: {  	_ = 	snop  }
0x6: {  	_ = 	snop  }
0x7: {  	_ = 	snop  }
__scs_overlays_trampoline_lowered:
0x8: {  	[smem:$0x3FAE] =	sst s0  }
0x9: {  	[smem:$0x3FAF] =	sst s1  }
0xa: {  	[smem:$0x3FB0] =	sst s2  }
0xb: {  	[smem:$0x3FB1] =	sst s3  }
0xc: {  	[smem:$0x3FB2] =	sst s4  }
0xd: {  	[smem:$0x3FB3] =	sst s5  }
0xe: {  	[smem:$0x3FB4] =	sst s6  }
0xf: {  	[smem:$0x3FB5] =	sst s7  }
0x10: {  	[smem:$0x3FB6] =	sst s8  }
0x11: {  	[smem:$0x3FB7] =	sst s9;
	s0 =	simm.s32 @!p0 $0x0  }
0x12: {  	s1 =	sld [smem:$0x3F9D];
	s0 =	simm.s32 @p0 $0x1  }
0x13: {  	[smem:$0x3FB8] =	sst s0;
	s0 =	simm.s32 @!p1 $0x0  }
0x14: {  	s2 =	sld [smem:$0x3F9C];
	s0 =	simm.s32 @p1 $0x1  }
0x15: {  	[smem:$0x3FB9] =	sst s0;
	s0 =	simm.s32 @!p2 $0x0  }
0x16: {  	s3 =	sld [smem:$0x3FDB];
	s0 =	simm.s32 @p2 $0x1  }
0x17: {  	s4 =	simm.s32 $0x1BF5;
	[smem:$0x3FBB] =	sst s0  }
0x18: {  	s0 =	sld [smem:$0x3F9E];
	_ =	swait.ge [sflag:s4], $0x0  }
0x19: {  	s7 =	sld [smem:$0x3F9F]  }
0x1a: {  	s8 =	sadd.s32 $0xFFFFE003, lr  }
0x1b: {  	s9 =	sadd.s32 $0xFFFFFEF7, lr;
	s5 =	simm.s32 $0xFFFFFFFF;
	p2 =	slt.u32 s8, $0xFFFFF086  }
0x1c: {  	p1 =	slt.u32 s9, $0xF7A;
	s5 =	simm.s32 @!p2 $0x0  }
0x1d: {  	s5 =	simm.s32 @p1 $0x1;
	p0 =	seq.s32 s7, s2  }
0x1e: {  	s7 =	smul.u32 @!p0 $0xF7A, s2;
	p2 =	seq.s32 @!p0 s5, $0x0  }
0x1f: {  	s9 =	smul.u32 $0xF7A, s1;
	s8 =	simm.s32 @!p0 $0x1BF5;
	p2 =	por !p2, p0  }
0x20: {  	[sflag:s8] =	ssyncset.s32 @!p0 $0xFFFFF086;
	s6 =	sadd.s32 @!p0 s3, s7;
	s7 =	simm.s32 @!p0 $0x108  }
0x21: {  	s3 =	sadd.s32 s3, s9;
	s6 =	sadd.s32 @!p0 $0x88, s6;
	s7 =	simm.s32 @p2 $0x1082  }
0x22: {  	[simem:s7], [sflag:s8] =	dma.local @!p0 [hbm:s6], $0xF7A  }
0x23: {  	s9 =	sor.u32 $0xD0000000, s2;
	s6 =	simm.s32 $0x108;
	_ =	swait.ge @!p0 [sflag:s8], $0x0  }
0x24: {  	s3 =	sadd.s32 $0x88, s3;
	s6 =	simm.s32 @!p1 $0x1082;
	[sflag:s4] =	ssyncset.s32 $0xFFFFF086  }
0x25: {  	[simem:s6], [sflag:s4] =	dma.local [hbm:s3], $0xF7A  }
0x26: {  	[smem:$0x3F9F] =	sst s1;
	(tag) =	ssettag s2;
	_ =	strace s9  }
0x27: {  	s1 =	sld [smem:$0x3FAF]  }
0x28: {  	s2 =	sld [smem:$0x3FB0]  }
0x29: {  	s4 =	sld [smem:$0x3FB2]  }
0x2a: {  	p0 =	seq.s32 s5, $0x0;
	s5 =	sld [smem:$0x3FB3]  }
0x2b: {  	s6 =	sld [smem:$0x3FB4]  }
0x2c: {  	s7 =	sld [smem:$0x3FB5]  }
0x2d: {  	s3 =	simm.s32 $0x108;
	s8 =	sld [smem:$0x3FB6]  }
0x2e: {  	s3 =	simm.s32 @!p0 $0x1082;
	s9 =	sld [smem:$0x3FB7]  }
0x2f: {  	lr =	sadd.s32 s0, s3;
	s0 =	sld [smem:$0x3FAE]  }
0x30: {  	s3 =	sld [smem:$0x3FB1]  }
0x31: {  	[smem:$0x3FBA] =	sst s10  }
0x32: {  	s10 =	sld [smem:$0x3FB8];
	_ =	sdelay $0x3  }
0x33: {  	p0 =	seq.s32 s10, $0x1;
	s10 =	sld [smem:$0x3FBA];
	_ =	sdelay $0x3  }
0x34: {  	[smem:$0x3FBA] =	sst s10  }
0x35: {  	s10 =	sld [smem:$0x3FB9];
	_ =	sdelay $0x3  }
0x36: {  	p1 =	seq.s32 s10, $0x1;
	s10 =	sld [smem:$0x3FBA];
	_ =	sdelay $0x3  }
0x37: {  	[smem:$0x3FBA] =	sst s10  }
0x38: {  	s10 =	sld [smem:$0x3FBB]  }
0x39: {  	_ = 	snop;
	(pc) =	sbr.ind lr, $3  }
0x3a: {  	_ = 	snop  }
0x3b: {  	_ = 	snop  }
0x3c: {  	p2 =	seq.s32 s10, $0x1;
	s10 =	sld [smem:$0x3FBA]  }
0x3d: {  	_ =	shalt  }
0x3e: {  	_ =	shalt  }
0x3f: {  	_ =	shalt  }
0x40: {  	_ =	shalt  }
0x41: {  	_ =	shalt  }
0x42: {  	_ =	shalt  }
0x43: {  	_ =	shalt  }
0x44: {  	_ =	shalt  }
0x45: {  	_ =	shalt  }
0x46: {  	_ =	shalt  }
0x47: {  	_ =	shalt  }
0x48: {  	_ =	shalt  }
0x49: {  	_ =	shalt  }
0x4a: {  	_ =	shalt  }
0x4b: {  	_ =	shalt  }
0x4c: {  	_ =	shalt  }
0x4d: {  	_ =	shalt  }
0x4e: {  	_ =	shalt  }
0x4f: {  	_ =	shalt  }
0x50: {  	_ =	shalt  }
0x51: {  	_ =	shalt  }
0x52: {  	_ =	shalt  }
0x53: {  	_ =	shalt  }
0x54: {  	_ =	shalt  }
0x55: {  	_ =	shalt  }
0x56: {  	_ =	shalt  }
0x57: {  	_ =	shalt  }
0x58: {  	_ =	shalt  }
0x59: {  	_ =	shalt  }
0x5a: {  	_ =	shalt  }
0x5b: {  	_ =	shalt  }
0x5c: {  	_ =	shalt  }
0x5d: {  	_ =	shalt  }
0x5e: {  	_ =	shalt  }
0x5f: {  	_ =	shalt  }
0x60: {  	_ =	shalt  }
0x61: {  	_ =	shalt  }
0x62: {  	_ =	shalt  }
0x63: {  	_ =	shalt  }
0x64: {  	_ =	shalt  }
0x65: {  	_ =	shalt  }
0x66: {  	_ =	shalt  }
0x67: {  	_ =	shalt  }
0x68: {  	_ =	shalt  }
0x69: {  	_ =	shalt  }
0x6a: {  	_ =	shalt  }
0x6b: {  	_ =	shalt  }
0x6c: {  	_ =	shalt  }
0x6d: {  	_ =	shalt  }
0x6e: {  	_ =	shalt  }
0x6f: {  	_ =	shalt  }
0x70: {  	_ =	shalt  }
0x71: {  	_ =	shalt  }
0x72: {  	_ =	shalt  }
0x73: {  	_ =	shalt  }
0x74: {  	_ =	shalt  }
0x75: {  	_ =	shalt  }
0x76: {  	_ =	shalt  }
0x77: {  	_ =	shalt  }
0x78: {  	_ =	shalt  }
0x79: {  	_ =	shalt  }
0x7a: {  	_ =	shalt  }
0x7b: {  	_ =	shalt  }
0x7c: {  	_ =	shalt  }
0x7d: {  	_ =	shalt  }
0x7e: {  	_ =	shalt  }
0x7f: {  	_ =	shalt  }
0x80: {  	_ =	shalt  }
0x81: {  	_ =	shalt  }
0x82: {  	_ =	shalt  }
0x83: {  	_ =	shalt  }
0x84: {  	_ =	shalt  }
0x85: {  	_ =	shalt  }
0x86: {  	_ =	shalt  }
0x87: {  	_ =	shalt  }
.Lfunc_end0:
.L_simem_size_0:
called_computation_lowered:
.L_overlay_start_0:
0x88: {  	s2 =	sld [smem:$0x3FD9]  }
0x89: {  	s3 =	sld [smem:$0x3FFE];
	_ =	sdelay $0x1  }
0x8a: {  	s1 =	srdreg.scid  }
0x8b: {  	s0 =	sand.u32 $0x1, s1  }
0x8c: {  	s15 =	sshll.u32 s0, $0xA;
	s2 =	sadd.s32 s3, s2  }
0x8d: {  	s2 =	sadd.s32 s2, s15  }
0x8e: {  	[smem:$0x3FC6] =	sst s2  }
0x8f: {  	_ = 	snop  }
0x90: {  	s2 =	sld [smem:$0x3FD0];
	_ =	sdelay $0x2  }
0x91: {  	s4 =	simm.s32 $0xA;
	s5 =	simm.s32 $0x10;
	s16 =	sld [smem:$0x3FC9]  }
0x92: {  	[smem:s5], [sflag:s4] =	dma.local [hbm:s2], $0x1  }
0x93: {  	_ =	swait.eq [sflag:s4], $0x1  }
0x94: {  	[sflag:s4] =	ssyncset.done $0x0  }
0x95: {  	[sflag:s4] =	ssyncadd.s32 $0xFFFFFFFF  }
0x96: {  	s17 =	sld [smem:$0x10];
	(tm) =	ssettm $0x1  }
0x97: {  	s18 =	sld [smem:$0x3FFB];
	_ =	sdelay $0x3  }
0x98: {  	_ =	strace s18  }
0x99: {  	s4 =	sld [smem:$0x3FFC];
	_ =	sdelay $0x3  }
0x9a: {  	_ =	strace s4  }
0x9b: {  	s4 =	sld [smem:$0x3FFD];
	_ =	sdelay $0x3  }
0x9c: {  	_ =	strace s4  }
0x9d: {  	_ =	strace $0x8FFFFFFF  }
0x9e: {  	s19 =	sld [smem:$0x3FDB];
	_ =	sdelay $0x1  }
0x9f: {  	s20 =	simm.s32 $_scs_section_size  }
0xa0: {  	s6 =	simm.s32 $_size__tile_overlayer_lowered;
	s7 =	simm.s32 $_tile_overlayer_lowered  }
0xa1: {  	s23 =	simm.s32 $0x1BFF;
	s22 =	sshll.u32 s7, $0x1;
	s4 =	sadd.s32 s20, s19  }
0xa2: {  	s8 =	simm.s32 $0x0;
	s21 =	sshll.u32 s6, $0x1;
	s6 =	sadd.s32 s22, s4  }
0xa3: {  	[timem:s8], [sflag:s23] =	dma.local [hbm:s6], s21  }
0xa4: {  	_ =	swait.ge [sflag:s23], s21  }
0xa5: {  	s5 =	ssub.s32 $0x0, s21;
	[sflag:s23] =	ssyncset.done $0x0  }
0xa6: {  	[sflag:s23] =	ssyncadd.s32 s5;
	_ =	sdelay $0x1  }
0xa7: {  	s24 =	simm.s32 $0x1B8B  }
0xa8: {  	_ =	swait.ge [sflag:s24], $0x1  }
0xa9: {  	[sflag:s24] =	ssyncset.done $0x0  }
0xaa: {  	s25 =	simm.s32 $0x1B8E;
	[sflag:s24] =	ssyncadd.s32 $0xFFFFFFFF  }
0xab: {  	s26 =	simm.s32 $execute0_lowered;
	[smem:$0x3FD2] =	sst s25  }
0xac: {  	s5 =	sshll.u32 s26, $0x1;
	_ =	strace $0x80000046;
	[dreg:$0x1] =	wrdreg $0xFFFFFFFF  }
0xad: {  	s28 =	simm.s32 $_size_execute0_lowered;
	s4 =	sadd.s32 s4, s5;
	[dreg:$0x0] =	wrdreg $0x0  }
0xae: {  	s5 =	sshll.u32 s28, $0x1;
	[dreg:$0x2] =	wrdreg s4  }
0xaf: {  	[dreg:$0x3] =	wrdreg s5  }
0xb0: {  	[dreg:$0x4] =	wrdreg $0xC0  }
0xb1: {  	_ =	task [dreg:s8], $0x5FFFF  }
0xb2: {  	[dreg:$0x1] =	wrdreg $0xFFFFFFFF  }
0xb3: {  	[dreg:$0x0] =	wrdreg $0x60  }
0xb4: {  	[dreg:$0x2] =	wrdreg s16  }
0xb5: {  	[dreg:$0x3] =	wrdreg s17  }
0xb6: {  	[dreg:$0x4] =	wrdreg $0x9  }
0xb7: {  	_ =	task.clear_ibuf [dreg:s8], $0x5FFFF;
	_ =	strace $0x90000046  }
0xb8: {  	s29 =	simm.s32 $0x9;
	_ =	strace $0x80000048  }
0xb9: {  	_ =	swait.ge [sflag:s29], $0x1  }
0xba: {  	[sflag:s29] =	ssyncadd.s32 $0xFFFFFFFF  }
0xbb: {  	_ =	strace $0x90000048  }
0xbc: {  	_ =	sfence  }
0xbd: {  	s30 =	sld [smem:$0x0];
	_ =	sdelay $0x2  }
0xbe: {  	s31 =	sshll.u32 s1, $0xD;
	s1 =	sshrl.u32 s1, $0x2  }
0xbf: {  	s3 =	sand.u32 $0x4000, s31;
	s1 =	sadd.s32 s1, s30  }
0xc0: {  	s0 =	sor.u32 s3, s0;
	s1 =	sshll.u32 s1, $0x11  }
0xc1: {  	s0 =	sor.u32 s1, s0  }
0xc2: {  	s0 =	sadd.s32 $0x8F2B, s0  }
0xc3: {  	[sflag:s0] =	ssyncadd.remote.s32 $0x1  }
0xc4: {  	_ =	sfence.sel $0xFFFF  }
0xc5: {  	[dreg:$0x0] =	wrdreg $0xFFFFFFFF;
	(pc) =	sbr.abs _section_cstart, $3  }
0xc6: {  	[dreg:$0x1] =	wrdreg $0xFFFFFFFF  }
0xc7: {  	_ =	task.clear_ibuf [dreg:s8], $0x2FFFF;
	_ =	strace $0x9FFFFFFF  }
0xc8: {  	(tm) =	ssettm $0x7FFFFFFF  }
0xc9: {  	_ =	shalt  }
tec
execute0_lowered:
.L_overlay_start_1:
0x0: {  	(tag) =	ssettag $0x1  }
0x1: {  	s1 =	srdreg.scid;
	s0 =	stileid.u32  }
0x2: {  	s15 =	sand.u32 $0x1, s1;
	s31 =	sshll.u32 s0, $0x1  }
0x3: {  	s14 =	rddreg [dreg:$0x0];
	s10 =	sor.u32 s15, s31  }
0x4: {  	s17 =	rddreg [dreg:$0x1];
	s2 =	simm.s32 $0x0;
	s16 =	sshll.u32 s10, $0xC  }
0x5: {  	s4 =	simm.s32 $0x1;
	[smem:$0x7FF] =	sst s2;
	s5 =	sadd.s32 $0x94800, s16  }
0x6: {  	s1 =	rddreg [dreg:$0x2];
	_ =	strace $0x80000047;
	s3 =	sadd.s32 s14, s5  }
0x7: {  	[tilespmem:s2], [sflag:$0x1] =	stream.linear.gather [hbm4b:s3+s2], $0x8000, $0x38;
	[tilespmem:$0x8000] =	vst v63  }
0x8: {  	_ =	swait.ge [sflag:s4], $0x8000  }
0x9: {  	[sflag:s4] =	ssyncset.done $0x0  }
0xa: {  	s5 =	sadd.s32 s17, s5;
	[sflag:s4] =	ssyncadd.s32 $0xFFFF8000  }
0xb: {  	[hbm4b:s5+s2] =	stream.linear.scatter [tilespmem:s2], [sflag:$0x1], $0x8000, $0x38;
	[tilespmem:$0x8000] =	vst v63  }
0xc: {  	_ =	swait.ge [sflag:s4], $0x8000  }
0xd: {  	s7 =	sadd.s32 $0xB4800, s16;
	[sflag:s4] =	ssyncset.done $0x0  }
0xe: {  	s6 =	sadd.s32 s14, s7;
	[sflag:s4] =	ssyncadd.s32 $0xFFFF8000  }
0xf: {  	[tilespmem:s2], [sflag:$0x1] =	stream.linear.gather [hbm4b:s6+s2], $0x8000, $0x38;
	[tilespmem:$0x8000] =	vst v63  }
0x10: {  	_ =	swait.ge [sflag:s4], $0x8000  }
0x11: {  	[sflag:s4] =	ssyncset.done $0x0  }
0x12: {  	s7 =	sadd.s32 s17, s7;
	[sflag:s4] =	ssyncadd.s32 $0xFFFF8000  }
0x13: {  	[hbm4b:s7+s2] =	stream.linear.scatter [tilespmem:s2], [sflag:$0x1], $0x8000, $0x38;
	[tilespmem:$0x8000] =	vst v63  }
0x14: {  	_ =	swait.ge [sflag:s4], $0x8000  }
0x15: {  	s9 =	sadd.s32 $0xD4800, s16;
	[sflag:s4] =	ssyncset.done $0x0  }
0x16: {  	s8 =	sadd.s32 s14, s9;
	[sflag:s4] =	ssyncadd.s32 $0xFFFF8000  }
0x17: {  	[tilespmem:s2], [sflag:$0x1] =	stream.linear.gather [hbm4b:s8+s2], $0x8000, $0x38;
	[tilespmem:$0x8000] =	vst v63  }
0x18: {  	_ =	swait.ge [sflag:s4], $0x8000  }
0x19: {  	[sflag:s4] =	ssyncset.done $0x0  }
0x1a: {  	p0 =	sgt.u32 s10, $0x10;
	s9 =	sadd.s32 s17, s9;
	[sflag:s4] =	ssyncadd.s32 $0xFFFF8000  }
0x1b: {  	[hbm4b:s9+s2] =	stream.linear.scatter [tilespmem:s2], [sflag:$0x1], $0x8000, $0x38;
	[tilespmem:$0x8000] =	vst v63  }
0x1c: {  	p1 =	sne.s32 @p0 s10, $0x1F;
	_ =	swait.ge [sflag:s4], $0x8000  }
0x1d: {  	s10 =	sadd.s32 $0x105800, s14;
	p1 =	por p1, !p0;
	[sflag:s4] =	ssyncset.done $0x0  }
0x1e: {  	s11 =	simm.s32 @!p1 $0x0;
	s12 =	simm.s32 @!p1 $0x1;
	[sflag:s4] =	ssyncadd.s32 $0xFFFF8000  }
0x1f: {  	[tilespmem:s11], [sflag:$0x1] =	stream.linear.gather @!p1 [hbm4b:s10+s11], $0x5200, $0x38;
	[tilespmem:$0x8000] =	vst v63  }
0x20: {  	_ =	swait.ge @!p1 [sflag:s12], $0x5200  }
0x21: {  	s13 =	sadd.s32 $0x105800, s17;
	s18 =	ssub.s32 $0x2, s15;
	[sflag:s12] =	ssyncset.done @!p1 $0x0  }
0x22: {  	s20 =	sshrl.u32 s18, $0x1;
	s19 =	sadd.s32 $0xF4800, s16;
	[sflag:s12] =	ssyncadd.s32 @!p1 $0xFFFFAE00  }
0x23: {  	[hbm4b:s13+s11] =	stream.linear.scatter @!p1 [tilespmem:s11], [sflag:$0x1], $0x5200, $0x38;
	[tilespmem:$0x8000] =	vst v63  }
0x24: {  	s16 =	simm.s32 @!p0 $0x0;
	s18 =	ssub.s32 s18, s20;
	_ =	swait.ge @!p1 [sflag:s12], $0x5200  }
0x25: {  	s15 =	sadd.s32 s14, s19;
	s18 =	smax.u32 s18, $0x1;
	[sflag:s12] =	ssyncset.done @!p1 $0x0  }
0x26: {  	s14 =	simm.s32 @!p0 $0x1;
	s18 =	sadd.s32 $0xFFFFFFFF, s18;
	[sflag:s12] =	ssyncadd.s32 @!p1 $0xFFFFAE00  }
0x27: {  	[tilespmem:s16], [sflag:$0x1] =	stream.linear.gather @!p0 [hbm4b:s15+s16], $0x8000, $0x38;
	[tilespmem:$0x8000] =	vst v63  }
0x28: {  	p2 =	sne.s32 s18, $0x0;
	_ =	swait.ge @!p0 [sflag:s14], $0x8000  }
.Ltmp0:
0x29: {  	[sflag:s14] =	ssyncset.done @!p0 $0x0;
	(pc) =	sbr.rel @!p2 .LBB2_2-.Ltmp0, $4  }
0x2a: {  	s17 =	sadd.s32 s17, s19;
	[sflag:s14] =	ssyncadd.s32 @!p0 $0xFFFF8000  }
0x2b: {  	[hbm4b:s17+s16] =	stream.linear.scatter @!p0 [tilespmem:s16], [sflag:$0x1], $0x8000, $0x38;
	[tilespmem:$0x8000] =	vst v63  }
0x2c: {  	_ =	swait.ge @!p0 [sflag:s14], $0x8000  }
0x2d: {  	[sflag:s14] =	ssyncset.done @!p0 $0x0  }
.LBB2_1:
0x2e: {  	s18 =	sadd.s32 $0xFFFFFFFF, s18;
	[sflag:s14] =	ssyncadd.s32 @!p0 $0xFFFF8000  }
0x2f: {  	[tilespmem:s2], [sflag:$0x1] =	stream.linear.gather [hbm4b:s3+s2], $0x8000, $0x38;
	[tilespmem:$0x8000] =	vst v63  }
0x30: {  	p2 =	sne.s32 s18, $0x0;
	_ =	swait.ge [sflag:s4], $0x8000  }
0x31: {  	[sflag:s4] =	ssyncset.done $0x0  }
0x32: {  	[sflag:s4] =	ssyncadd.s32 $0xFFFF8000  }
0x33: {  	[hbm4b:s5+s2] =	stream.linear.scatter [tilespmem:s2], [sflag:$0x1], $0x8000, $0x38;
	[tilespmem:$0x8000] =	vst v63  }
0x34: {  	_ =	swait.ge [sflag:s4], $0x8000  }
0x35: {  	[sflag:s4] =	ssyncset.done $0x0  }
0x36: {  	[sflag:s4] =	ssyncadd.s32 $0xFFFF8000  }
0x37: {  	[tilespmem:s2], [sflag:$0x1] =	stream.linear.gather [hbm4b:s6+s2], $0x8000, $0x38;
	[tilespmem:$0x8000] =	vst v63  }
0x38: {  	_ =	swait.ge [sflag:s4], $0x8000  }
0x39: {  	[sflag:s4] =	ssyncset.done $0x0  }
0x3a: {  	[sflag:s4] =	ssyncadd.s32 $0xFFFF8000  }
0x3b: {  	[hbm4b:s7+s2] =	stream.linear.scatter [tilespmem:s2], [sflag:$0x1], $0x8000, $0x38;
	[tilespmem:$0x8000] =	vst v63  }
0x3c: {  	_ =	swait.ge [sflag:s4], $0x8000  }
0x3d: {  	[sflag:s4] =	ssyncset.done $0x0  }
0x3e: {  	[sflag:s4] =	ssyncadd.s32 $0xFFFF8000  }
0x3f: {  	[tilespmem:s2], [sflag:$0x1] =	stream.linear.gather [hbm4b:s8+s2], $0x8000, $0x38;
	[tilespmem:$0x8000] =	vst v63  }
0x40: {  	_ =	swait.ge [sflag:s4], $0x8000  }
0x41: {  	[sflag:s4] =	ssyncset.done $0x0  }
0x42: {  	[sflag:s4] =	ssyncadd.s32 $0xFFFF8000  }
0x43: {  	[hbm4b:s9+s2] =	stream.linear.scatter [tilespmem:s2], [sflag:$0x1], $0x8000, $0x38;
	[tilespmem:$0x8000] =	vst v63  }
0x44: {  	_ =	swait.ge [sflag:s4], $0x8000  }
0x45: {  	[sflag:s4] =	ssyncset.done $0x0  }
0x46: {  	[sflag:s4] =	ssyncadd.s32 $0xFFFF8000  }
0x47: {  	[tilespmem:s11], [sflag:$0x1] =	stream.linear.gather @!p1 [hbm4b:s10+s11], $0x5200, $0x38;
	[tilespmem:$0x8000] =	vst v63  }
0x48: {  	_ =	swait.ge @!p1 [sflag:s12], $0x5200  }
0x49: {  	[sflag:s12] =	ssyncset.done @!p1 $0x0  }
0x4a: {  	[sflag:s12] =	ssyncadd.s32 @!p1 $0xFFFFAE00  }
0x4b: {  	[hbm4b:s13+s11] =	stream.linear.scatter @!p1 [tilespmem:s11], [sflag:$0x1], $0x5200, $0x38;
	[tilespmem:$0x8000] =	vst v63  }
0x4c: {  	_ =	swait.ge @!p1 [sflag:s12], $0x5200  }
0x4d: {  	[sflag:s12] =	ssyncset.done @!p1 $0x0  }
0x4e: {  	[sflag:s12] =	ssyncadd.s32 @!p1 $0xFFFFAE00  }
0x4f: {  	[tilespmem:s16], [sflag:$0x1] =	stream.linear.gather @!p0 [hbm4b:s15+s16], $0x8000, $0x38;
	[tilespmem:$0x8000] =	vst v63  }
0x50: {  	_ =	swait.ge @!p0 [sflag:s14], $0x8000  }
.Ltmp1:
0x51: {  	[sflag:s14] =	ssyncset.done @!p0 $0x0;
	(pc) =	sbr.rel @p2 .LBB2_1-.Ltmp1, $4  }
0x52: {  	[sflag:s14] =	ssyncadd.s32 @!p0 $0xFFFF8000  }
0x53: {  	[hbm4b:s17+s16] =	stream.linear.scatter @!p0 [tilespmem:s16], [sflag:$0x1], $0x8000, $0x38;
	[tilespmem:$0x8000] =	vst v63  }
0x54: {  	_ =	swait.ge @!p0 [sflag:s14], $0x8000  }
0x55: {  	[sflag:s14] =	ssyncset.done @!p0 $0x0  }
.LBB2_2:
0x56: {  	[sflag:s14] =	ssyncadd.s32 @!p0 $0xFFFF8000  }
0x57: {  	_ =	sfence.sel $0x180000  }
0x58: {  	[bflag:$0x0] =	sbarrier.arrive $0xFFFF  }
0x59: {  	p0 =	sne.s32 s0, $0x0;
	_ =	strace $0x90000047  }
0x5a: {  	s0 =	sadd.s32 @!p0 $0x100000, s1;
	[bflag:$0x2] =	sbarrier.arrive $0xFFFF  }
0x5b: {  	[sflag:s0] =	ssyncadd.tile.s32 @!p0 $0x1;
	_ =	shalt  }
.Lfunc_end2:
_tile_overlayer_lowered:
.L_overlay_start_2:
0x5c: {  	(tag) =	ssettag $0x2  }
0x5d: {  	s0 =	rddreg [dreg:$0x0];
	s2 =	stileid.u32  }
0x5e: {  	s1 =	rddreg [dreg:$0x1];
	p0 =	sne.s32 s2, $0x0  }
0x5f: {  	s3 =	rddreg [dreg:$0x2];
	[bflag:$0x3] =	sbarrier.arrive $0xFFFF;
	s2 =	simm.s32 @!p0 $0x1C01  }
0x60: {  	[timem:s3], [sflag:s2] =	dma.local @!p0 [hbm:s0], s1  }
0x61: {  	s0 =	simm.s32 @!p0 $0x1  }
0x62: {  	_ =	swait.ge @!p0 [sflag:s0], s1  }
0x63: {  	s1 =	ssub.s32 @!p0 $0x0, s1;
	[sflag:s0] =	ssyncset.done @!p0 $0x0  }
0x64: {  	[sflag:s0] =	ssyncadd.s32 @!p0 s1  }
0x65: {  	[bflag:$0x3] =	sbarrier.arrive $0xFFFF  }
0x66: {  	_ =	shalt  }

</sc_bundles>
